<compile_context>
chip_gen: v7x
topology: tpu7x:2x2x1
jax: 0.10.2.dev20260603
libtpu: 0.0.44.dev20260713+nightly
codegen_flags: <defaults>
</compile_context>

<pallas_src>
import functools

import numpy as np
import jax
import jax.numpy as jnp
from jax import lax
from jax.experimental import pallas as pl
from jax.experimental.pallas import tpu as pltpu
from jax.experimental.pallas import tpu_sc as plsc

X = 224
Y = 224
B = 4
D = 64
NC = 2
NS = 16
NW = NC * NS
CH = 128


def _build_index_table():
    radius = min(X, Y) / 2
    xc, yc = X / 2, Y / 2
    xs, ys = np.ogrid[:X, :Y]
    mask = np.sqrt((xs - xc) ** 2 + (ys - yc) ** 2) <= radius
    midx = np.nonzero(mask.reshape(-1))[0].astype(np.int64)
    k = midx.shape[0]
    n = B * k
    gidx = (np.arange(B)[:, None] * (X * Y) + midx[None, :]).reshape(-1)
    n_full = n // CH
    per_w = -(-n_full // NW)
    t = NW * per_w
    starts = np.minimum(np.arange(t) * CH, (n_full - 1) * CH)
    tbl = gidx[starts[:, None] + np.arange(CH)[None, :]]
    tbl = tbl.reshape(NW, per_w, CH)
    tail_start = n_full * CH
    tail_n = n - tail_start
    tail = np.full((CH,), gidx[-1], dtype=np.int64)
    tail[:tail_n] = gidx[tail_start:]
    tbl = np.concatenate([tbl, np.broadcast_to(tail, (NW, 1, CH))], axis=1)
    return k, per_w, tail_start, tail_n, tbl.astype(np.int32)


K_ROWS, PER_W, TAIL_START, TAIL_N, _IDX_TBL_NP = _build_index_table()
N_ROWS = B * K_ROWS

_mesh = plsc.VectorSubcoreMesh(
    core_axis_name="c", subcore_axis_name="s", num_cores=NC, num_subcores=NS
)


N_FULL = N_ROWS // CH


@functools.partial(
    pl.kernel,
    out_type=jax.ShapeDtypeStruct((N_ROWS, D), jnp.float32),
    mesh=_mesh,
    scratch_types=[
        pltpu.VMEM((PER_W + 1, CH), jnp.int32),
        pltpu.VMEM((CH, D), jnp.float32),
        pltpu.SemaphoreType.DMA,
    ],
    compiler_params=pltpu.CompilerParams(use_tc_tiling_on_sc=False),
)
def _gather_kernel(flat_hbm, idx_hbm, out_hbm, idx_v, rows_v, gsem):
    wid = lax.axis_index("s") * NC + lax.axis_index("c")
    pltpu.sync_copy(idx_hbm.at[wid], idx_v)

    def step(c, carry):
        o = jnp.minimum((wid * PER_W + c) * CH, (N_FULL - 1) * CH)
        pltpu.async_copy(flat_hbm.at[idx_v.at[c]], rows_v, gsem).wait()
        pltpu.sync_copy(rows_v, out_hbm.at[pl.ds(o, CH)])
        return carry

    lax.fori_loop(0, PER_W, step, 0)

    @pl.when(wid == 0)
    def _tail():
        pltpu.async_copy(flat_hbm.at[idx_v.at[PER_W]], rows_v, gsem).wait()
        pltpu.sync_copy(
            rows_v.at[pl.ds(0, TAIL_N)], out_hbm.at[pl.ds(TAIL_START, TAIL_N)]
        )


def kernel(tensor):
    flat = tensor.reshape(B * X * Y, D)
    idx = jnp.asarray(_IDX_TBL_NP)
    out = _gather_kernel(flat, idx)
    return out.reshape(B, K_ROWS, D)

# --- scband reference (transcript-rebuilt; emitter-appended) ---
"""Pipeline reference for scband-extract-center-cylinder-22144851378675 (READ-ONLY COPY).

The authoritative reference and input builder live on the scoring server;
editing this copy changes nothing except your own understanding.
"""

import jax, jax.numpy as jnp
import numpy as np


def _mask_idx(x_size, y_size):
    radius = min(x_size, y_size) / 2
    x_center, y_center = x_size / 2, y_size / 2
    x, y = np.ogrid[:x_size, :y_size]
    dist_from_center = np.sqrt((x - x_center) ** 2 + (y - y_center) ** 2)
    mask = dist_from_center <= radius
    return np.nonzero(mask.reshape(-1))[0].astype(np.int32)


def setup_inputs(seed: int = 0) -> dict:
    key = jax.random.key(seed)
    tensor = jax.random.normal(key, (4, 224, 224, 64), dtype=jnp.float32)
    return {"tensor": tensor}


def reference(tensor):
    # Faithful translation of the non-inplace path: tensor[..., mask, :]
    # Boolean masking over the (x, y) dims flattens them to the masked positions.
    x, y = tensor.shape[-3], tensor.shape[-2]
    idx = jnp.asarray(_mask_idx(x, y))
    flat = tensor.reshape(tensor.shape[:-3] + (x * y, tensor.shape[-1]))
    return jnp.take(flat, idx, axis=-2)

if __name__ == "__main__":
    import jax
    _d = setup_inputs()
    print(jax.jit(kernel)(*tuple(_d.values())))

</pallas_src>

<mosaic_0001>
#map = affine_map<(d0, d1) -> (0, 0)>
#map1 = affine_map<(d0, d1) -> (0, 0, 0)>
module attributes {stable_mosaic.version = 14 : i64} {
  func.func @_gather_kernel(%arg0: i32, %arg1: i32, %arg2: memref<200704x64xf32, #tpu.memory_space<hbm>>, %arg3: memref<32x40x128xi32, #tpu.memory_space<hbm>>, %arg4: memref<157516x64xf32, #tpu.memory_space<hbm>>, %arg5: memref<40x128xi32, #tpu.memory_space<vmem>>, %arg6: memref<128x64xf32, #tpu.memory_space<vmem>>, %arg7: memref<!tpu.dma_semaphore, #tpu.memory_space<semaphore_mem>>) attributes {dimension_semantics = [#tpu.dimension_semantics<core_parallel>, #tpu.dimension_semantics<subcore_parallel>], iteration_bounds = array<i64: 2, 16>, scalar_prefetch = 0 : i64, scratch_operands = 3 : i64, tpu.core_type = #tpu.core_type<sc_vector_subcore>, window_params = [{transform_indices = #map}, {transform_indices = #map1}, {transform_indices = #map}]} {
    %mul3A = arith.constant 2 : i32
    %mul3A_0 = arith.muli %arg1, %mul3A : i32
    %add3A = arith.addi %mul3A_0, %arg0 : i32
    "tpu.region"() ({
      %run_scoped3A = tpu.sem_alloc : memref<!tpu.dma_semaphore, #tpu.memory_space<semaphore_mem>>
      %dma_start3A = arith.constant 0 : i32
      %dma_start3A_8 = arith.constant 0 : i32
      %dma_start3A_9 = tpu.memref_slice %arg3[%add3A, %dma_start3A, %dma_start3A_8] : memref<32x40x128xi32, #tpu.memory_space<hbm>> -> memref<1x40x128xi32, #tpu.memory_space<hbm>>
      %dma_start3A_10 = tpu.memref_squeeze %dma_start3A_9 : memref<1x40x128xi32, #tpu.memory_space<hbm>> -> memref<40x128xi32, #tpu.memory_space<hbm>>
      %dma_start3A_11 = arith.constant 0 : i32
      %dma_start3A_12 = arith.constant 0 : i32
      %dma_start3A_13 = tpu.memref_slice %arg3[%add3A, %dma_start3A_11, %dma_start3A_12] : memref<32x40x128xi32, #tpu.memory_space<hbm>> -> memref<1x40x128xi32, #tpu.memory_space<hbm>>
      %dma_start3A_14 = tpu.memref_squeeze %dma_start3A_13 : memref<1x40x128xi32, #tpu.memory_space<hbm>> -> memref<40x128xi32, #tpu.memory_space<hbm>>
      tpu.enqueue_dma source(%dma_start3A_14 : memref<40x128xi32, #tpu.memory_space<hbm>>) target(%arg5 : memref<40x128xi32, #tpu.memory_space<vmem>>) target_semaphore(%run_scoped3A : memref<!tpu.dma_semaphore, #tpu.memory_space<semaphore_mem>>)
      %dma_wait3A = arith.constant 0 : i32
      %dma_wait3A_15 = arith.constant 0 : i32
      %dma_wait3A_16 = tpu.memref_slice %arg3[%add3A, %dma_wait3A, %dma_wait3A_15] : memref<32x40x128xi32, #tpu.memory_space<hbm>> -> memref<1x40x128xi32, #tpu.memory_space<hbm>>
      %dma_wait3A_17 = tpu.memref_squeeze %dma_wait3A_16 : memref<1x40x128xi32, #tpu.memory_space<hbm>> -> memref<40x128xi32, #tpu.memory_space<hbm>>
      %dma_wait3A_18 = arith.constant 0 : i32
      %dma_wait3A_19 = arith.constant 0 : i32
      %dma_wait3A_20 = tpu.memref_slice %arg3[%add3A, %dma_wait3A_18, %dma_wait3A_19] : memref<32x40x128xi32, #tpu.memory_space<hbm>> -> memref<1x40x128xi32, #tpu.memory_space<hbm>>
      %dma_wait3A_21 = tpu.memref_squeeze %dma_wait3A_20 : memref<1x40x128xi32, #tpu.memory_space<hbm>> -> memref<40x128xi32, #tpu.memory_space<hbm>>
      tpu.wait_dma2 semaphore(%run_scoped3A : memref<!tpu.dma_semaphore, #tpu.memory_space<semaphore_mem>>) src(%dma_wait3A_21 : memref<40x128xi32, #tpu.memory_space<hbm>>) dst(%arg5 : memref<40x128xi32, #tpu.memory_space<vmem>>)
      tpu.yield
    }) : () -> ()
    %scan3A = arith.constant 0 : i32
    %scan3A_1 = arith.constant 0 : i32
    %scan3A_2 = arith.constant 39 : i32
    %scan3A_3 = arith.addi %scan3A_1, %scan3A_2 : i32
    %scan3A_4 = arith.constant 1 : i32
    scf.for %scan3A_8 = %scan3A_1 to %scan3A_3 step %scan3A_4  : i32 {
      %mul3A_9 = arith.constant 39 : i32
      %mul3A_10 = arith.muli %add3A, %mul3A_9 : i32
      %add3A_11 = arith.addi %mul3A_10, %scan3A_8 : i32
      %mul3A_12 = arith.constant 128 : i32
      %mul3A_13 = arith.muli %add3A_11, %mul3A_12 : i32
      %min3A = arith.constant 157312 : i32
      %min3A_14 = arith.minsi %mul3A_13, %min3A : i32
      %dma_start3A = arith.constant 0 : i32
      %dma_start3A_15 = tpu.memref_slice %arg5[%scan3A_8, %dma_start3A] : memref<40x128xi32, #tpu.memory_space<vmem>> -> memref<1x128xi32, #tpu.memory_space<vmem>>
      %dma_start3A_16 = tpu.memref_squeeze %dma_start3A_15 : memref<1x128xi32, #tpu.memory_space<vmem>> -> memref<128xi32, #tpu.memory_space<vmem>>
      %dma_start3A_17 = arith.constant 0 : i32
      %dma_start3A_18 = arith.constant 0 : i32
      %dma_start3A_19 = tpu.memref_slice %arg2[%dma_start3A_17, %dma_start3A_18] : memref<200704x64xf32, #tpu.memory_space<hbm>> -> memref<200704x64xf32, #tpu.memory_space<hbm>>
      tpu.enqueue_indirect_dma source(%dma_start3A_19 : memref<200704x64xf32, #tpu.memory_space<hbm>>) target(%arg6 : memref<128x64xf32, #tpu.memory_space<vmem>>) offsets(%dma_start3A_16 : memref<128xi32, #tpu.memory_space<vmem>>) semaphore(%arg7 : memref<!tpu.dma_semaphore, #tpu.memory_space<semaphore_mem>>)
      %dma_wait3A = arith.constant 0 : i32
      %dma_wait3A_20 = tpu.memref_slice %arg5[%scan3A_8, %dma_wait3A] : memref<40x128xi32, #tpu.memory_space<vmem>> -> memref<1x128xi32, #tpu.memory_space<vmem>>
      %dma_wait3A_21 = tpu.memref_squeeze %dma_wait3A_20 : memref<1x128xi32, #tpu.memory_space<vmem>> -> memref<128xi32, #tpu.memory_space<vmem>>
      %dma_wait3A_22 = arith.constant 0 : i32
      %dma_wait3A_23 = arith.constant 0 : i32
      %dma_wait3A_24 = tpu.memref_slice %arg2[%dma_wait3A_22, %dma_wait3A_23] : memref<200704x64xf32, #tpu.memory_space<hbm>> -> memref<200704x64xf32, #tpu.memory_space<hbm>>
      tpu.wait_indirect_dma semaphore(%arg7 : memref<!tpu.dma_semaphore, #tpu.memory_space<semaphore_mem>>) src(%dma_wait3A_24 : memref<200704x64xf32, #tpu.memory_space<hbm>>) dst(%arg6 : memref<128x64xf32, #tpu.memory_space<vmem>>)
      "tpu.region"() ({
        %run_scoped3A = tpu.sem_alloc : memref<!tpu.dma_semaphore, #tpu.memory_space<semaphore_mem>>
        %dma_start3A_25 = arith.constant 0 : i32
        %dma_start3A_26 = tpu.memref_slice %arg4[%min3A_14, %dma_start3A_25] : memref<157516x64xf32, #tpu.memory_space<hbm>> -> memref<128x64xf32, #tpu.memory_space<hbm>>
        %dma_start3A_27 = arith.constant 0 : i32
        %dma_start3A_28 = tpu.memref_slice %arg4[%min3A_14, %dma_start3A_27] : memref<157516x64xf32, #tpu.memory_space<hbm>> -> memref<128x64xf32, #tpu.memory_space<hbm>>
        tpu.enqueue_dma source(%arg6 : memref<128x64xf32, #tpu.memory_space<vmem>>) target(%dma_start3A_28 : memref<128x64xf32, #tpu.memory_space<hbm>>) target_semaphore(%run_scoped3A : memref<!tpu.dma_semaphore, #tpu.memory_space<semaphore_mem>>)
        %dma_wait3A_29 = arith.constant 0 : i32
        %dma_wait3A_30 = tpu.memref_slice %arg4[%min3A_14, %dma_wait3A_29] : memref<157516x64xf32, #tpu.memory_space<hbm>> -> memref<128x64xf32, #tpu.memory_space<hbm>>
        %dma_wait3A_31 = arith.constant 0 : i32
        %dma_wait3A_32 = tpu.memref_slice %arg4[%min3A_14, %dma_wait3A_31] : memref<157516x64xf32, #tpu.memory_space<hbm>> -> memref<128x64xf32, #tpu.memory_space<hbm>>
        tpu.wait_dma2 semaphore(%run_scoped3A : memref<!tpu.dma_semaphore, #tpu.memory_space<semaphore_mem>>) src(%arg6 : memref<128x64xf32, #tpu.memory_space<vmem>>) dst(%dma_wait3A_32 : memref<128x64xf32, #tpu.memory_space<hbm>>)
        tpu.yield
      }) : () -> ()
    }
    %scan3A_5 = arith.constant 39 : i32
    %eq3A = arith.constant 0 : i32
    %eq3A_6 = arith.cmpi eq, %add3A, %eq3A : i32
    %convert_element_type3A = arith.extui %eq3A_6 : i1 to i32
    %cond3A = arith.constant 0 : i32
    %cond3A_7 = arith.cmpi ne, %convert_element_type3A, %cond3A : i32
    scf.if %cond3A_7 {
      %dma_start3A = arith.constant 39 : i32
      %dma_start3A_8 = arith.constant 0 : i32
      %dma_start3A_9 = tpu.memref_slice %arg5[%dma_start3A, %dma_start3A_8] : memref<40x128xi32, #tpu.memory_space<vmem>> -> memref<1x128xi32, #tpu.memory_space<vmem>>
      %dma_start3A_10 = tpu.memref_squeeze %dma_start3A_9 : memref<1x128xi32, #tpu.memory_space<vmem>> -> memref<128xi32, #tpu.memory_space<vmem>>
      %dma_start3A_11 = arith.constant 0 : i32
      %dma_start3A_12 = arith.constant 0 : i32
      %dma_start3A_13 = tpu.memref_slice %arg2[%dma_start3A_11, %dma_start3A_12] : memref<200704x64xf32, #tpu.memory_space<hbm>> -> memref<200704x64xf32, #tpu.memory_space<hbm>>
      tpu.enqueue_indirect_dma source(%dma_start3A_13 : memref<200704x64xf32, #tpu.memory_space<hbm>>) target(%arg6 : memref<128x64xf32, #tpu.memory_space<vmem>>) offsets(%dma_start3A_10 : memref<128xi32, #tpu.memory_space<vmem>>) semaphore(%arg7 : memref<!tpu.dma_semaphore, #tpu.memory_space<semaphore_mem>>)
      %dma_wait3A = arith.constant 39 : i32
      %dma_wait3A_14 = arith.constant 0 : i32
      %dma_wait3A_15 = tpu.memref_slice %arg5[%dma_wait3A, %dma_wait3A_14] : memref<40x128xi32, #tpu.memory_space<vmem>> -> memref<1x128xi32, #tpu.memory_space<vmem>>
      %dma_wait3A_16 = tpu.memref_squeeze %dma_wait3A_15 : memref<1x128xi32, #tpu.memory_space<vmem>> -> memref<128xi32, #tpu.memory_space<vmem>>
      %dma_wait3A_17 = arith.constant 0 : i32
      %dma_wait3A_18 = arith.constant 0 : i32
      %dma_wait3A_19 = tpu.memref_slice %arg2[%dma_wait3A_17, %dma_wait3A_18] : memref<200704x64xf32, #tpu.memory_space<hbm>> -> memref<200704x64xf32, #tpu.memory_space<hbm>>
      tpu.wait_indirect_dma semaphore(%arg7 : memref<!tpu.dma_semaphore, #tpu.memory_space<semaphore_mem>>) src(%dma_wait3A_19 : memref<200704x64xf32, #tpu.memory_space<hbm>>) dst(%arg6 : memref<128x64xf32, #tpu.memory_space<vmem>>)
      "tpu.region"() ({
        %run_scoped3A = tpu.sem_alloc : memref<!tpu.dma_semaphore, #tpu.memory_space<semaphore_mem>>
        %dma_start3A_20 = arith.constant 0 : i32
        %dma_start3A_21 = arith.constant 0 : i32
        %dma_start3A_22 = tpu.memref_slice %arg6[%dma_start3A_20, %dma_start3A_21] : memref<128x64xf32, #tpu.memory_space<vmem>> -> memref<76x64xf32, #tpu.memory_space<vmem>>
        %dma_start3A_23 = arith.constant 157440 : i32
        %dma_start3A_24 = arith.constant 0 : i32
        %dma_start3A_25 = tpu.memref_slice %arg4[%dma_start3A_23, %dma_start3A_24] : memref<157516x64xf32, #tpu.memory_space<hbm>> -> memref<76x64xf32, #tpu.memory_space<hbm>>
        %dma_start3A_26 = arith.constant 157440 : i32
        %dma_start3A_27 = arith.constant 0 : i32
        %dma_start3A_28 = tpu.memref_slice %arg4[%dma_start3A_26, %dma_start3A_27] : memref<157516x64xf32, #tpu.memory_space<hbm>> -> memref<76x64xf32, #tpu.memory_space<hbm>>
        %dma_start3A_29 = arith.constant 0 : i32
        %dma_start3A_30 = arith.constant 0 : i32
        %dma_start3A_31 = tpu.memref_slice %arg6[%dma_start3A_29, %dma_start3A_30] : memref<128x64xf32, #tpu.memory_space<vmem>> -> memref<76x64xf32, #tpu.memory_space<vmem>>
        tpu.enqueue_dma source(%dma_start3A_31 : memref<76x64xf32, #tpu.memory_space<vmem>>) target(%dma_start3A_28 : memref<76x64xf32, #tpu.memory_space<hbm>>) target_semaphore(%run_scoped3A : memref<!tpu.dma_semaphore, #tpu.memory_space<semaphore_mem>>)
        %dma_wait3A_32 = arith.constant 0 : i32
        %dma_wait3A_33 = arith.constant 0 : i32
        %dma_wait3A_34 = tpu.memref_slice %arg6[%dma_wait3A_32, %dma_wait3A_33] : memref<128x64xf32, #tpu.memory_space<vmem>> -> memref<76x64xf32, #tpu.memory_space<vmem>>
        %dma_wait3A_35 = arith.constant 157440 : i32
        %dma_wait3A_36 = arith.constant 0 : i32
        %dma_wait3A_37 = tpu.memref_slice %arg4[%dma_wait3A_35, %dma_wait3A_36] : memref<157516x64xf32, #tpu.memory_space<hbm>> -> memref<76x64xf32, #tpu.memory_space<hbm>>
        %dma_wait3A_38 = arith.constant 157440 : i32
        %dma_wait3A_39 = arith.constant 0 : i32
        %dma_wait3A_40 = tpu.memref_slice %arg4[%dma_wait3A_38, %dma_wait3A_39] : memref<157516x64xf32, #tpu.memory_space<hbm>> -> memref<76x64xf32, #tpu.memory_space<hbm>>
        %dma_wait3A_41 = arith.constant 0 : i32
        %dma_wait3A_42 = arith.constant 0 : i32
        %dma_wait3A_43 = tpu.memref_slice %arg6[%dma_wait3A_41, %dma_wait3A_42] : memref<128x64xf32, #tpu.memory_space<vmem>> -> memref<76x64xf32, #tpu.memory_space<vmem>>
        tpu.wait_dma2 semaphore(%run_scoped3A : memref<!tpu.dma_semaphore, #tpu.memory_space<semaphore_mem>>) src(%dma_wait3A_43 : memref<76x64xf32, #tpu.memory_space<vmem>>) dst(%dma_wait3A_40 : memref<76x64xf32, #tpu.memory_space<hbm>>)
        tpu.yield
      }) : () -> ()
    } else {
    }
    return
  }
}

</mosaic_0001>

<sc_bundles>
// kernel: kernel.3.cloned.1.call-start
scs
__scs_entry_jumppad:
0x0: {  	(pc) =	sbr.rel $0x88, $3  }
0x1: {  	(tag) =	ssettag $0x0;
	lr =	simm.s32 $0x1  }
0x2: {  	[smem:$0x3FA0] =	sst lr;
	_ =	strace $0xD0000000  }
0x3: {  	_ = 	snop  }
0x4: {  	_ = 	snop  }
0x5: {  	_ = 	snop  }
0x6: {  	_ = 	snop  }
0x7: {  	_ = 	snop  }
__scs_overlays_trampoline_lowered:
0x8: {  	[smem:$0x3FAF] =	sst s0  }
0x9: {  	[smem:$0x3FB0] =	sst s1  }
0xa: {  	[smem:$0x3FB1] =	sst s2  }
0xb: {  	[smem:$0x3FB2] =	sst s3  }
0xc: {  	[smem:$0x3FB3] =	sst s4  }
0xd: {  	[smem:$0x3FB4] =	sst s5  }
0xe: {  	[smem:$0x3FB5] =	sst s6  }
0xf: {  	[smem:$0x3FB6] =	sst s7  }
0x10: {  	[smem:$0x3FB7] =	sst s8  }
0x11: {  	[smem:$0x3FB8] =	sst s9;
	s0 =	simm.s32 @!p0 $0x0  }
0x12: {  	s1 =	sld [smem:$0x3F9E];
	s0 =	simm.s32 @p0 $0x1  }
0x13: {  	[smem:$0x3FB9] =	sst s0;
	s0 =	simm.s32 @!p1 $0x0  }
0x14: {  	s2 =	sld [smem:$0x3F9D];
	s0 =	simm.s32 @p1 $0x1  }
0x15: {  	[smem:$0x3FBA] =	sst s0;
	s0 =	simm.s32 @!p2 $0x0  }
0x16: {  	s3 =	sld [smem:$0x3FDB];
	s0 =	simm.s32 @p2 $0x1  }
0x17: {  	s4 =	simm.s32 $0x1BF5;
	[smem:$0x3FBC] =	sst s0  }
0x18: {  	s0 =	sld [smem:$0x3F9F];
	_ =	swait.ge [sflag:s4], $0x0  }
0x19: {  	s7 =	sld [smem:$0x3FA0]  }
0x1a: {  	s8 =	sadd.s32 $0xFFFFE003, lr  }
0x1b: {  	s9 =	sadd.s32 $0xFFFFFEF7, lr;
	s5 =	simm.s32 $0xFFFFFFFF;
	p2 =	slt.u32 s8, $0xFFFFF086  }
0x1c: {  	p1 =	slt.u32 s9, $0xF7A;
	s5 =	simm.s32 @!p2 $0x0  }
0x1d: {  	s5 =	simm.s32 @p1 $0x1;
	p0 =	seq.s32 s7, s2  }
0x1e: {  	s7 =	smul.u32 @!p0 $0xF7A, s2;
	p2 =	seq.s32 @!p0 s5, $0x0  }
0x1f: {  	s9 =	smul.u32 $0xF7A, s1;
	s8 =	simm.s32 @!p0 $0x1BF5;
	p2 =	por !p2, p0  }
0x20: {  	[sflag:s8] =	ssyncset.s32 @!p0 $0xFFFFF086;
	s6 =	sadd.s32 @!p0 s3, s7;
	s7 =	simm.s32 @!p0 $0x108  }
0x21: {  	s3 =	sadd.s32 s3, s9;
	s6 =	sadd.s32 @!p0 $0x88, s6;
	s7 =	simm.s32 @p2 $0x1082  }
0x22: {  	[simem:s7], [sflag:s8] =	dma.local @!p0 [hbm:s6], $0xF7A  }
0x23: {  	s9 =	sor.u32 $0xD0000000, s2;
	s6 =	simm.s32 $0x108;
	_ =	swait.ge @!p0 [sflag:s8], $0x0  }
0x24: {  	s3 =	sadd.s32 $0x88, s3;
	s6 =	simm.s32 @!p1 $0x1082;
	[sflag:s4] =	ssyncset.s32 $0xFFFFF086  }
0x25: {  	[simem:s6], [sflag:s4] =	dma.local [hbm:s3], $0xF7A  }
0x26: {  	[smem:$0x3FA0] =	sst s1;
	(tag) =	ssettag s2;
	_ =	strace s9  }
0x27: {  	s1 =	sld [smem:$0x3FB0]  }
0x28: {  	s2 =	sld [smem:$0x3FB1]  }
0x29: {  	s4 =	sld [smem:$0x3FB3]  }
0x2a: {  	p0 =	seq.s32 s5, $0x0;
	s5 =	sld [smem:$0x3FB4]  }
0x2b: {  	s6 =	sld [smem:$0x3FB5]  }
0x2c: {  	s7 =	sld [smem:$0x3FB6]  }
0x2d: {  	s3 =	simm.s32 $0x108;
	s8 =	sld [smem:$0x3FB7]  }
0x2e: {  	s3 =	simm.s32 @!p0 $0x1082;
	s9 =	sld [smem:$0x3FB8]  }
0x2f: {  	lr =	sadd.s32 s0, s3;
	s0 =	sld [smem:$0x3FAF]  }
0x30: {  	s3 =	sld [smem:$0x3FB2]  }
0x31: {  	[smem:$0x3FBB] =	sst s10  }
0x32: {  	s10 =	sld [smem:$0x3FB9];
	_ =	sdelay $0x3  }
0x33: {  	p0 =	seq.s32 s10, $0x1;
	s10 =	sld [smem:$0x3FBB];
	_ =	sdelay $0x3  }
0x34: {  	[smem:$0x3FBB] =	sst s10  }
0x35: {  	s10 =	sld [smem:$0x3FBA];
	_ =	sdelay $0x3  }
0x36: {  	p1 =	seq.s32 s10, $0x1;
	s10 =	sld [smem:$0x3FBB];
	_ =	sdelay $0x3  }
0x37: {  	[smem:$0x3FBB] =	sst s10  }
0x38: {  	s10 =	sld [smem:$0x3FBC]  }
0x39: {  	_ = 	snop;
	(pc) =	sbr.ind lr, $3  }
0x3a: {  	_ = 	snop  }
0x3b: {  	_ = 	snop  }
0x3c: {  	p2 =	seq.s32 s10, $0x1;
	s10 =	sld [smem:$0x3FBB]  }
0x3d: {  	_ =	shalt  }
0x3e: {  	_ =	shalt  }
0x3f: {  	_ =	shalt  }
0x40: {  	_ =	shalt  }
0x41: {  	_ =	shalt  }
0x42: {  	_ =	shalt  }
0x43: {  	_ =	shalt  }
0x44: {  	_ =	shalt  }
0x45: {  	_ =	shalt  }
0x46: {  	_ =	shalt  }
0x47: {  	_ =	shalt  }
0x48: {  	_ =	shalt  }
0x49: {  	_ =	shalt  }
0x4a: {  	_ =	shalt  }
0x4b: {  	_ =	shalt  }
0x4c: {  	_ =	shalt  }
0x4d: {  	_ =	shalt  }
0x4e: {  	_ =	shalt  }
0x4f: {  	_ =	shalt  }
0x50: {  	_ =	shalt  }
0x51: {  	_ =	shalt  }
0x52: {  	_ =	shalt  }
0x53: {  	_ =	shalt  }
0x54: {  	_ =	shalt  }
0x55: {  	_ =	shalt  }
0x56: {  	_ =	shalt  }
0x57: {  	_ =	shalt  }
0x58: {  	_ =	shalt  }
0x59: {  	_ =	shalt  }
0x5a: {  	_ =	shalt  }
0x5b: {  	_ =	shalt  }
0x5c: {  	_ =	shalt  }
0x5d: {  	_ =	shalt  }
0x5e: {  	_ =	shalt  }
0x5f: {  	_ =	shalt  }
0x60: {  	_ =	shalt  }
0x61: {  	_ =	shalt  }
0x62: {  	_ =	shalt  }
0x63: {  	_ =	shalt  }
0x64: {  	_ =	shalt  }
0x65: {  	_ =	shalt  }
0x66: {  	_ =	shalt  }
0x67: {  	_ =	shalt  }
0x68: {  	_ =	shalt  }
0x69: {  	_ =	shalt  }
0x6a: {  	_ =	shalt  }
0x6b: {  	_ =	shalt  }
0x6c: {  	_ =	shalt  }
0x6d: {  	_ =	shalt  }
0x6e: {  	_ =	shalt  }
0x6f: {  	_ =	shalt  }
0x70: {  	_ =	shalt  }
0x71: {  	_ =	shalt  }
0x72: {  	_ =	shalt  }
0x73: {  	_ =	shalt  }
0x74: {  	_ =	shalt  }
0x75: {  	_ =	shalt  }
0x76: {  	_ =	shalt  }
0x77: {  	_ =	shalt  }
0x78: {  	_ =	shalt  }
0x79: {  	_ =	shalt  }
0x7a: {  	_ =	shalt  }
0x7b: {  	_ =	shalt  }
0x7c: {  	_ =	shalt  }
0x7d: {  	_ =	shalt  }
0x7e: {  	_ =	shalt  }
0x7f: {  	_ =	shalt  }
0x80: {  	_ =	shalt  }
0x81: {  	_ =	shalt  }
0x82: {  	_ =	shalt  }
0x83: {  	_ =	shalt  }
0x84: {  	_ =	shalt  }
0x85: {  	_ =	shalt  }
0x86: {  	_ =	shalt  }
0x87: {  	_ =	shalt  }
.Lfunc_end0:
.L_simem_size_0:
called_computation_lowered:
.L_overlay_start_0:
0x88: {  	s2 =	sld [smem:$0x3FD9]  }
0x89: {  	s3 =	sld [smem:$0x3FFE];
	_ =	sdelay $0x1  }
0x8a: {  	s1 =	srdreg.scid  }
0x8b: {  	s0 =	sand.u32 $0x1, s1  }
0x8c: {  	s17 =	sshll.u32 s0, $0xA;
	s2 =	sadd.s32 s3, s2  }
0x8d: {  	s2 =	sadd.s32 s2, s17  }
0x8e: {  	[smem:$0x3FC7] =	sst s2  }
0x8f: {  	_ = 	snop  }
0x90: {  	s2 =	sld [smem:$0x3FD0];
	(tm) =	ssettm $0x1  }
0x91: {  	s18 =	sld [smem:$0x3FFB];
	_ =	sdelay $0x3  }
0x92: {  	_ =	strace s18  }
0x93: {  	s3 =	sld [smem:$0x3FFC];
	_ =	sdelay $0x3  }
0x94: {  	_ =	strace s3  }
0x95: {  	s3 =	sld [smem:$0x3FFD];
	_ =	sdelay $0x3  }
0x96: {  	_ =	strace s3  }
0x97: {  	_ =	strace $0x8FFFFFFF  }
0x98: {  	s19 =	sld [smem:$0x3FDB];
	_ =	sdelay $0x1  }
0x99: {  	s4 =	simm.s32 $_scs_section_size  }
0x9a: {  	s5 =	simm.s32 $_size__tile_overlayer_lowered;
	s6 =	simm.s32 $_tile_overlayer_lowered  }
0x9b: {  	s22 =	simm.s32 $0x1BFF;
	s21 =	sshll.u32 s6, $0x1;
	s3 =	sadd.s32 s4, s19  }
0x9c: {  	s7 =	simm.s32 $0x0;
	s20 =	sshll.u32 s5, $0x1;
	s5 =	sadd.s32 s21, s3  }
0x9d: {  	[timem:s7], [sflag:s22] =	dma.local [hbm:s5], s20  }
0x9e: {  	_ =	swait.ge [sflag:s22], s20  }
0x9f: {  	s4 =	ssub.s32 $0x0, s20;
	[sflag:s22] =	ssyncset.done $0x0  }
0xa0: {  	[sflag:s22] =	ssyncadd.s32 s4;
	_ =	sdelay $0x1  }
0xa1: {  	s23 =	simm.s32 $0x1B8B  }
0xa2: {  	_ =	swait.ge [sflag:s23], $0x1  }
0xa3: {  	[sflag:s23] =	ssyncset.done $0x0  }
0xa4: {  	s25 =	simm.s32 $0x1B8E;
	s24 =	sld [smem:$0x3FFE];
	[sflag:s23] =	ssyncadd.s32 $0xFFFFFFFF  }
0xa5: {  	s26 =	simm.s32 $execute0_lowered;
	[smem:$0x3FD2] =	sst s25  }
0xa6: {  	s5 =	sshll.u32 s26, $0x1;
	_ =	strace $0x80000046;
	[dreg:$0x1] =	wrdreg $0xFFFFFFFF  }
0xa7: {  	s28 =	simm.s32 $_size_execute0_lowered;
	s3 =	sadd.s32 s3, s5;
	[dreg:$0x0] =	wrdreg $0x0  }
0xa8: {  	s5 =	sshll.u32 s28, $0x1;
	[dreg:$0x2] =	wrdreg s3  }
0xa9: {  	[dreg:$0x3] =	wrdreg s5  }
0xaa: {  	[dreg:$0x4] =	wrdreg $0xC0  }
0xab: {  	_ =	task [dreg:s7], $0x5FFFF  }
0xac: {  	[dreg:$0x1] =	wrdreg $0xFFFFFFFF  }
0xad: {  	[dreg:$0x0] =	wrdreg $0x60  }
0xae: {  	[dreg:$0x2] =	wrdreg s24  }
0xaf: {  	[dreg:$0x3] =	wrdreg s2  }
0xb0: {  	[dreg:$0x4] =	wrdreg $0x9  }
0xb1: {  	_ =	task.clear_ibuf [dreg:s7], $0x5FFFF;
	_ =	strace $0x90000046  }
0xb2: {  	s29 =	simm.s32 $0x9;
	_ =	strace $0x80000048  }
0xb3: {  	_ =	swait.ge [sflag:s29], $0x1  }
0xb4: {  	[sflag:s29] =	ssyncadd.s32 $0xFFFFFFFF  }
0xb5: {  	_ =	strace $0x90000048  }
0xb6: {  	_ =	sfence  }
0xb7: {  	s30 =	sld [smem:$0x0];
	_ =	sdelay $0x2  }
0xb8: {  	s31 =	sshll.u32 s1, $0xD;
	s1 =	sshrl.u32 s1, $0x2  }
0xb9: {  	s3 =	sand.u32 $0x4000, s31;
	s1 =	sadd.s32 s1, s30  }
0xba: {  	s0 =	sor.u32 s3, s0;
	s1 =	sshll.u32 s1, $0x11  }
0xbb: {  	s0 =	sor.u32 s1, s0  }
0xbc: {  	s0 =	sadd.s32 $0x8F2B, s0  }
0xbd: {  	[sflag:s0] =	ssyncadd.remote.s32 $0x1  }
0xbe: {  	_ =	sfence.sel $0xFFFF  }
0xbf: {  	[dreg:$0x0] =	wrdreg $0xFFFFFFFF;
	(pc) =	sbr.abs _section_cstart, $3  }
0xc0: {  	[dreg:$0x1] =	wrdreg $0xFFFFFFFF  }
0xc1: {  	_ =	task.clear_ibuf [dreg:s7], $0x2FFFF;
	_ =	strace $0x9FFFFFFF  }
0xc2: {  	(tm) =	ssettm $0x7FFFFFFF  }
0xc3: {  	_ =	shalt  }
tec
execute0_lowered:
.L_overlay_start_1:
0x0: {  	(tag) =	ssettag $0x1  }
0x1: {  	s4 =	rddreg [dreg:$0x0];
	s1 =	srdreg.scid  }
0x2: {  	s0 =	stileid.u32;
	s2 =	rddreg [dreg:$0x1];
	s3 =	simm.s32 $0x0  }
0x3: {  	s11 =	simm.s32 $0x1400;
	s12 =	simm.s32 $0x1;
	s5 =	sand.u32 $0x1, s1  }
0x4: {  	s6 =	sshll.u32 s0, $0x1;
	s1 =	rddreg [dreg:$0x2];
	s8 =	smul.u32 $0x2700, s0  }
0x5: {  	[smem:$0x7FF] =	sst s3;
	s13 =	sor.u32 s5, s6;
	s10 =	smul.u32 $0x1380, s5  }
0x6: {  	_ =	strace $0x80000047;
	s7 =	ssub.s32 $0x2, s5;
	s6 =	smul.u32 $0x280, s13  }
0x7: {  	s9 =	sshrl.u32 s7, $0x1;
	p0 =	sne.s32 s13, $0x0;
	s13 =	simm.s32 $0x0  }
0x8: {  	s7 =	ssub.s32 s7, s9;
	s8 =	sadd.s32 s10, s8;
	s9 =	simm.s32 $0x2  }
0x9: {  	s10 =	simm.s32 $0x80;
	s6 =	sadd.s32 s6, s4;
	s4 =	sadd.s32 $0x310A00, s4  }
0xa: {  	s7 =	smax.u32 s7, $0x1;
	s5 =	sadd.s32 $0xA00, s6;
	s6 =	sadd.s32 $0x133800, s2  }
.LBB2_1:
0xb: {  	[tilespmem:s3], [sflag:$0x2] =	stream.linear.gather [hbm4b:s5+s3], $0x1400, $0x38;
	[tilespmem:$0x3400] =	vst v63  }
0xc: {  	_ =	swait.ge [sflag:s9], $0x1400  }
0xd: {  	[sflag:s9] =	ssyncset.done $0x0  }
0xe: {  	s14 =	sadd.s32 $0x0, s8;
	[sflag:s9] =	ssyncadd.s32 $0xFFFFEC00  }
0xf: {  	[tilespmem:s11], [sflag:$0x1] =	stream.indirect.gather [hbm4b:s4+s10], $0x40, s3, s10, $0xb8;
	[tilespmem:$0x3400] =	vst v63  }
0x10: {  	s14 =	smin.u32 s14, $0x26680;
	_ =	swait.ge [sflag:s12], $0x2000  }
0x11: {  	s14 =	sshll.u32 s14, $0x3;
	[sflag:s12] =	ssyncset.done $0x0  }
0x12: {  	s14 =	sadd.s32 s2, s14;
	[sflag:s12] =	ssyncadd.s32 $0xFFFFE000  }
0x13: {  	[hbm4b:s14+s3] =	stream.linear.scatter [tilespmem:s11], [sflag:$0x2], $0x2000, $0x38;
	[tilespmem:$0x3400] =	vst v63  }
0x14: {  	_ =	swait.ge [sflag:s9], $0x2000  }
0x15: {  	s15 =	simm.s32 $0x80;
	s14 =	simm.s32 $0x80;
	[sflag:s9] =	ssyncset.done $0x0  }
.LBB2_2:
0x16: {  	s17 =	smov.u32 s15  }
0x17: {  	s16 =	sadd.s32 s15, s8;
	[sflag:s9] =	ssyncadd.s32 $0xFFFFE000;
	s17 =	sadd.s32 $0x80, s15  }
0x18: {  	[tilespmem:s11], [sflag:$0x1] =	stream.indirect.gather [hbm4b:s4+s10], $0x40, s14, s10, $0xb8;
	[tilespmem:$0x3400] =	vst v63  }
0x19: {  	p1 =	sne.s32 s15, $0x1300;
	s16 =	smin.u32 s16, $0x26680;
	_ =	swait.ge [sflag:s12], $0x2000  }
.Ltmp0:
0x1a: {  	s15 =	sshll.u32 s16, $0x3;
	[sflag:s12] =	ssyncset.done $0x0;
	(pc) =	sbr.rel @p1 .LBB2_2-.Ltmp0, $4  }
0x1b: {  	s15 =	sadd.s32 s2, s15;
	[sflag:s12] =	ssyncadd.s32 $0xFFFFE000  }
0x1c: {  	[hbm4b:s15+s3] =	stream.linear.scatter [tilespmem:s11], [sflag:$0x2], $0x2000, $0x38;
	[tilespmem:$0x3400] =	vst v63  }
0x1d: {  	_ =	swait.ge [sflag:s9], $0x2000  }
0x1e: {  	s14 =	sadd.s32 $0x80, s14;
	s15 =	smov.u32 s17;
	[sflag:s9] =	ssyncset.done $0x0  }
0x1f: {  	[sflag:s9] =	ssyncadd.s32 $0xFFFFE000  }
0x20: {  	s14 =	simm.s32 @!p0 $0x80;
	s15 =	simm.s32 @!p0 $0x1380;
	s16 =	simm.s32 @!p0 $0x1400  }
0x21: {  	[tilespmem:s16], [sflag:$0x1] =	stream.indirect.gather @!p0 [hbm4b:s4+s14], $0x40, s15, s14, $0xb8;
	[tilespmem:$0x3400] =	vst v63  }
0x22: {  	s14 =	simm.s32 @!p0 $0x1  }
0x23: {  	_ =	swait.ge @!p0 [sflag:s14], $0x2000  }
0x24: {  	s13 =	sadd.s32 $0x1, s13;
	[sflag:s14] =	ssyncset.done @!p0 $0x0  }
0x25: {  	p1 =	sne.s32 s13, s7;
	[sflag:s14] =	ssyncadd.s32 @!p0 $0xFFFFE000;
	s14 =	simm.s32 @!p0 $0x0  }
0x26: {  	[hbm4b:s6+s14] =	stream.linear.scatter @!p0 [tilespmem:s16], [sflag:$0x2], $0x1300, $0x38;
	[tilespmem:$0x3400] =	vst v63  }
.Ltmp1:
0x27: {  	_ = 	snop;
	(pc) =	sbr.rel @p1 .LBB2_1-.Ltmp1, $4  }
0x28: {  	s14 =	simm.s32 @!p0 $0x2  }
0x29: {  	_ =	swait.ge @!p0 [sflag:s14], $0x1300  }
0x2a: {  	[sflag:s14] =	ssyncset.done @!p0 $0x0  }
0x2b: {  	[sflag:s14] =	ssyncadd.s32 @!p0 $0xFFFFED00  }
0x2c: {  	_ =	sfence.sel $0x180000  }
0x2d: {  	[bflag:$0x0] =	sbarrier.arrive $0xFFFF  }
0x2e: {  	p0 =	sne.s32 s0, $0x0;
	_ =	strace $0x90000047  }
0x2f: {  	s0 =	sadd.s32 @!p0 $0x100000, s1;
	[bflag:$0x2] =	sbarrier.arrive $0xFFFF  }
0x30: {  	[sflag:s0] =	ssyncadd.tile.s32 @!p0 $0x1;
	_ =	shalt  }
.Lfunc_end2:
_tile_overlayer_lowered:
.L_overlay_start_2:
0x31: {  	(tag) =	ssettag $0x2  }
0x32: {  	s0 =	rddreg [dreg:$0x0];
	s2 =	stileid.u32  }
0x33: {  	s1 =	rddreg [dreg:$0x1];
	p0 =	sne.s32 s2, $0x0  }
0x34: {  	s3 =	rddreg [dreg:$0x2];
	[bflag:$0x3] =	sbarrier.arrive $0xFFFF;
	s2 =	simm.s32 @!p0 $0x1C02  }
0x35: {  	[timem:s3], [sflag:s2] =	dma.local @!p0 [hbm:s0], s1  }
0x36: {  	s0 =	simm.s32 @!p0 $0x2  }
0x37: {  	_ =	swait.ge @!p0 [sflag:s0], s1  }
0x38: {  	s1 =	ssub.s32 @!p0 $0x0, s1;
	[sflag:s0] =	ssyncset.done @!p0 $0x0  }
0x39: {  	[sflag:s0] =	ssyncadd.s32 @!p0 s1  }
0x3a: {  	[bflag:$0x3] =	sbarrier.arrive $0xFFFF  }
0x3b: {  	_ =	shalt  }

</sc_bundles>
